<compile_context>
chip_gen: v7x
topology: tpu7x:2x2x1
jax: 0.10.2.dev20260603
libtpu: 0.0.44.dev20260713+nightly
codegen_flags: <defaults>
</compile_context>

<pallas_src>
import functools

import jax
import jax.numpy as jnp
from jax import lax
from jax.experimental import pallas as pl
from jax.experimental.pallas import tpu as pltpu
from jax.experimental.pallas import tpu_sc as plsc

_NUM_CORES = 2
_NUM_SUBCORES = 16
_NUM_WORKERS = _NUM_CORES * _NUM_SUBCORES
_NUM_CHUNKS = 5
_CHUNK0 = 64


def kernel(t, pos_embedding):
    (batch,) = t.shape
    vocab, dim = pos_embedding.shape
    assert vocab == 1000 and batch % _NUM_WORKERS == 0
    b_per_w = batch // _NUM_WORKERS

    mesh = plsc.VectorSubcoreMesh(core_axis_name="c", subcore_axis_name="s")

    @functools.partial(
        pl.kernel,
        mesh=mesh,
        out_type=jax.ShapeDtypeStruct((batch, dim), pos_embedding.dtype),
        scratch_types=[
            pltpu.VMEM_SHARED((vocab, dim), jnp.float32),
            pltpu.VMEM((b_per_w,), jnp.int32),
            pltpu.VMEM((b_per_w, dim), jnp.float32),
            pltpu.SemaphoreType.DMA,
            pltpu.SemaphoreType.DMA,
        ],
    )
    def gather_kernel(table_hbm, idx_hbm, out_hbm, table_sp, idx_v, rows_v,
                      gsem, wsem):
        sid = lax.axis_index("s")
        wid = sid * _NUM_CORES + lax.axis_index("c")
        base = wid * b_per_w
        sizes = [_CHUNK0] + [(b_per_w - _CHUNK0) // (_NUM_CHUNKS - 1)] * (
            _NUM_CHUNKS - 1)
        offs = [sum(sizes[:k]) for k in range(_NUM_CHUNKS)]

        pltpu.sync_copy(idx_hbm.at[pl.ds(base, b_per_w)], idx_v)
        gathers = [pltpu.async_copy(
            table_hbm.at[idx_v.at[pl.ds(0, _CHUNK0)]],
            rows_v.at[pl.ds(0, _CHUNK0)],
            gsem,
        )]

        @pl.when(sid < 13)
        def _fill_a():
            pltpu.sync_copy(
                table_hbm.at[pl.ds(sid * 64, 64)],
                table_sp.at[pl.ds(sid * 64, 64)],
            )

        @pl.when(sid >= 13)
        def _fill_b():
            pltpu.sync_copy(
                table_hbm.at[pl.ds(832 + (sid - 13) * 56, 56)],
                table_sp.at[pl.ds(832 + (sid - 13) * 56, 56)],
            )

        plsc.subcore_barrier()
        gathers += [
            pltpu.async_copy(
                table_sp.at[idx_v.at[pl.ds(offs[k], sizes[k])]],
                rows_v.at[pl.ds(offs[k], sizes[k])],
                gsem,
            )
            for k in range(1, _NUM_CHUNKS)
        ]
        writes = []
        for k in range(_NUM_CHUNKS):
            gathers[k].wait()
            writes.append(pltpu.async_copy(
                rows_v.at[pl.ds(offs[k], sizes[k])],
                out_hbm.at[pl.ds(base + offs[k], sizes[k])],
                wsem,
            ))
        for w in writes:
            w.wait()

    return gather_kernel(pos_embedding, t.astype(jnp.int32))

# --- scband reference (transcript-rebuilt; emitter-appended) ---
"""Pipeline reference for scband-positional-encoding-6614249635936 (READ-ONLY COPY).

The authoritative reference and input builder live on the scoring server;
editing this copy changes nothing except your own understanding.
"""

import jax, jax.numpy as jnp
import numpy as np
import math

NUM_STEPS = 1000
EMBED_DIM = 128
BATCH = 16384


def _build_pos_embedding(num_steps, embed_dim):
    half_dim = embed_dim // 2
    den = jnp.exp(-jnp.arange(half_dim, dtype=jnp.float32) * math.log(10000.0) / (half_dim - 1))
    pos = jnp.arange(0, num_steps, dtype=jnp.float32).reshape(num_steps, 1)
    pe = jnp.zeros((num_steps, half_dim * 2), dtype=jnp.float32)
    pe = pe.at[:, 0::2].set(jnp.sin(pos * den))
    pe = pe.at[:, 1::2].set(jnp.cos(pos * den))
    return pe


def setup_inputs(seed: int = 0) -> dict:
    key = jax.random.key(seed)
    t = jax.random.randint(key, (BATCH,), 0, NUM_STEPS, dtype=jnp.int64 if jax.config.jax_enable_x64 else jnp.int32)
    pos_embedding = _build_pos_embedding(NUM_STEPS, EMBED_DIM)
    return {"t": t, "pos_embedding": pos_embedding}


def reference(t, pos_embedding):
    # PositionalEncoding.forward: gather rows of the precomputed sinusoidal table
    # (dropout is identity since p=0 / eval mode)
    return jnp.take(pos_embedding, t, axis=0)

if __name__ == "__main__":
    import jax
    _d = setup_inputs()
    print(jax.jit(kernel)(*tuple(_d.values())))

</pallas_src>

<mosaic_0001>
#map = affine_map<(d0, d1) -> (0, 0)>
#map1 = affine_map<(d0, d1) -> (0)>
module attributes {stable_mosaic.version = 14 : i64} {
  func.func @gather_kernel(%arg0: i32, %arg1: i32, %arg2: memref<1000x128xf32, #tpu.memory_space<hbm>>, %arg3: memref<16384xi32, #tpu.memory_space<hbm>>, %arg4: memref<16384x128xf32, #tpu.memory_space<hbm>>, %arg5: memref<1000x128xf32, #tpu.memory_space<vmem_shared>>, %arg6: memref<512xi32, #tpu.memory_space<vmem>>, %arg7: memref<512x128xf32, #tpu.memory_space<vmem>>, %arg8: memref<!tpu.dma_semaphore, #tpu.memory_space<semaphore_mem>>, %arg9: memref<!tpu.dma_semaphore, #tpu.memory_space<semaphore_mem>>) attributes {dimension_semantics = [#tpu.dimension_semantics<core_parallel>, #tpu.dimension_semantics<subcore_parallel>], iteration_bounds = array<i64: 2, 16>, scalar_prefetch = 0 : i64, scratch_operands = 5 : i64, tpu.core_type = #tpu.core_type<sc_vector_subcore>, window_params = [{transform_indices = #map}, {transform_indices = #map1}, {transform_indices = #map}]} {
    %mul3A = arith.constant 2 : i32
    %mul3A_0 = arith.muli %arg1, %mul3A : i32
    %add3A = arith.addi %mul3A_0, %arg0 : i32
    %mul3A_1 = arith.constant 512 : i32
    %mul3A_2 = arith.muli %add3A, %mul3A_1 : i32
    "tpu.region"() ({
      %run_scoped3A = tpu.sem_alloc : memref<!tpu.dma_semaphore, #tpu.memory_space<semaphore_mem>>
      %dma_start3A_197 = tpu.memref_slice %arg3[%mul3A_2] : memref<16384xi32, #tpu.memory_space<hbm>> -> memref<512xi32, #tpu.memory_space<hbm>>
      %dma_start3A_198 = tpu.memref_slice %arg3[%mul3A_2] : memref<16384xi32, #tpu.memory_space<hbm>> -> memref<512xi32, #tpu.memory_space<hbm>>
      tpu.enqueue_dma source(%dma_start3A_198 : memref<512xi32, #tpu.memory_space<hbm>>) target(%arg6 : memref<512xi32, #tpu.memory_space<vmem>>) target_semaphore(%run_scoped3A : memref<!tpu.dma_semaphore, #tpu.memory_space<semaphore_mem>>)
      %dma_wait3A_199 = tpu.memref_slice %arg3[%mul3A_2] : memref<16384xi32, #tpu.memory_space<hbm>> -> memref<512xi32, #tpu.memory_space<hbm>>
      %dma_wait3A_200 = tpu.memref_slice %arg3[%mul3A_2] : memref<16384xi32, #tpu.memory_space<hbm>> -> memref<512xi32, #tpu.memory_space<hbm>>
      tpu.wait_dma2 semaphore(%run_scoped3A : memref<!tpu.dma_semaphore, #tpu.memory_space<semaphore_mem>>) src(%dma_wait3A_200 : memref<512xi32, #tpu.memory_space<hbm>>) dst(%arg6 : memref<512xi32, #tpu.memory_space<vmem>>)
      tpu.yield
    }) : () -> ()
    %dma_start3A = arith.constant 0 : i32
    %dma_start3A_3 = arith.constant 0 : i32
    %dma_start3A_4 = tpu.memref_slice %arg7[%dma_start3A, %dma_start3A_3] : memref<512x128xf32, #tpu.memory_space<vmem>> -> memref<64x128xf32, #tpu.memory_space<vmem>>
    %dma_start3A_5 = arith.constant 0 : i32
    %dma_start3A_6 = tpu.memref_slice %arg6[%dma_start3A_5] : memref<512xi32, #tpu.memory_space<vmem>> -> memref<64xi32, #tpu.memory_space<vmem>>
    %dma_start3A_7 = arith.constant 0 : i32
    %dma_start3A_8 = arith.constant 0 : i32
    %dma_start3A_9 = tpu.memref_slice %arg2[%dma_start3A_7, %dma_start3A_8] : memref<1000x128xf32, #tpu.memory_space<hbm>> -> memref<1000x128xf32, #tpu.memory_space<hbm>>
    tpu.enqueue_indirect_dma source(%dma_start3A_9 : memref<1000x128xf32, #tpu.memory_space<hbm>>) target(%dma_start3A_4 : memref<64x128xf32, #tpu.memory_space<vmem>>) offsets(%dma_start3A_6 : memref<64xi32, #tpu.memory_space<vmem>>) semaphore(%arg8 : memref<!tpu.dma_semaphore, #tpu.memory_space<semaphore_mem>>)
    %lt3A = arith.constant 13 : i32
    %lt3A_10 = arith.cmpi slt, %arg1, %lt3A : i32
    %convert_element_type3A = arith.extui %lt3A_10 : i1 to i32
    %cond3A = arith.constant 0 : i32
    %cond3A_11 = arith.cmpi ne, %convert_element_type3A, %cond3A : i32
    scf.if %cond3A_11 {
      %mul3A_197 = arith.constant 64 : i32
      %mul3A_198 = arith.muli %arg1, %mul3A_197 : i32
      %mul3A_199 = arith.constant 64 : i32
      %mul3A_200 = arith.muli %arg1, %mul3A_199 : i32
      "tpu.region"() ({
        %run_scoped3A = tpu.sem_alloc : memref<!tpu.dma_semaphore, #tpu.memory_space<semaphore_mem>>
        %dma_start3A_201 = arith.constant 0 : i32
        %dma_start3A_202 = tpu.memref_slice %arg5[%mul3A_200, %dma_start3A_201] : memref<1000x128xf32, #tpu.memory_space<vmem_shared>> -> memref<64x128xf32, #tpu.memory_space<vmem_shared>>
        %dma_start3A_203 = arith.constant 0 : i32
        %dma_start3A_204 = tpu.memref_slice %arg2[%mul3A_198, %dma_start3A_203] : memref<1000x128xf32, #tpu.memory_space<hbm>> -> memref<64x128xf32, #tpu.memory_space<hbm>>
        tpu.enqueue_dma source(%dma_start3A_204 : memref<64x128xf32, #tpu.memory_space<hbm>>) target(%dma_start3A_202 : memref<64x128xf32, #tpu.memory_space<vmem_shared>>) target_semaphore(%run_scoped3A : memref<!tpu.dma_semaphore, #tpu.memory_space<semaphore_mem>>)
        %dma_wait3A_205 = arith.constant 0 : i32
        %dma_wait3A_206 = tpu.memref_slice %arg5[%mul3A_200, %dma_wait3A_205] : memref<1000x128xf32, #tpu.memory_space<vmem_shared>> -> memref<64x128xf32, #tpu.memory_space<vmem_shared>>
        %dma_wait3A_207 = arith.constant 0 : i32
        %dma_wait3A_208 = tpu.memref_slice %arg2[%mul3A_198, %dma_wait3A_207] : memref<1000x128xf32, #tpu.memory_space<hbm>> -> memref<64x128xf32, #tpu.memory_space<hbm>>
        tpu.wait_dma2 semaphore(%run_scoped3A : memref<!tpu.dma_semaphore, #tpu.memory_space<semaphore_mem>>) src(%dma_wait3A_208 : memref<64x128xf32, #tpu.memory_space<hbm>>) dst(%dma_wait3A_206 : memref<64x128xf32, #tpu.memory_space<vmem_shared>>)
        tpu.yield
      }) : () -> ()
    } else {
    }
    %ge3A = arith.constant 13 : i32
    %ge3A_12 = arith.cmpi sge, %arg1, %ge3A : i32
    %convert_element_type3A_13 = arith.extui %ge3A_12 : i1 to i32
    %cond3A_14 = arith.constant 0 : i32
    %cond3A_15 = arith.cmpi ne, %convert_element_type3A_13, %cond3A_14 : i32
    scf.if %cond3A_15 {
      %sub3A = arith.constant 13 : i32
      %sub3A_197 = arith.subi %arg1, %sub3A : i32
      %mul3A_198 = arith.constant 56 : i32
      %mul3A_199 = arith.muli %sub3A_197, %mul3A_198 : i32
      %add3A_200 = arith.constant 832 : i32
      %add3A_201 = arith.addi %add3A_200, %mul3A_199 : i32
      %sub3A_202 = arith.constant 13 : i32
      %sub3A_203 = arith.subi %arg1, %sub3A_202 : i32
      %mul3A_204 = arith.constant 56 : i32
      %mul3A_205 = arith.muli %sub3A_203, %mul3A_204 : i32
      %add3A_206 = arith.constant 832 : i32
      %add3A_207 = arith.addi %add3A_206, %mul3A_205 : i32
      "tpu.region"() ({
        %run_scoped3A = tpu.sem_alloc : memref<!tpu.dma_semaphore, #tpu.memory_space<semaphore_mem>>
        %dma_start3A_208 = arith.constant 0 : i32
        %dma_start3A_209 = tpu.memref_slice %arg5[%add3A_207, %dma_start3A_208] : memref<1000x128xf32, #tpu.memory_space<vmem_shared>> -> memref<56x128xf32, #tpu.memory_space<vmem_shared>>
        %dma_start3A_210 = arith.constant 0 : i32
        %dma_start3A_211 = tpu.memref_slice %arg2[%add3A_201, %dma_start3A_210] : memref<1000x128xf32, #tpu.memory_space<hbm>> -> memref<56x128xf32, #tpu.memory_space<hbm>>
        tpu.enqueue_dma source(%dma_start3A_211 : memref<56x128xf32, #tpu.memory_space<hbm>>) target(%dma_start3A_209 : memref<56x128xf32, #tpu.memory_space<vmem_shared>>) target_semaphore(%run_scoped3A : memref<!tpu.dma_semaphore, #tpu.memory_space<semaphore_mem>>)
        %dma_wait3A_212 = arith.constant 0 : i32
        %dma_wait3A_213 = tpu.memref_slice %arg5[%add3A_207, %dma_wait3A_212] : memref<1000x128xf32, #tpu.memory_space<vmem_shared>> -> memref<56x128xf32, #tpu.memory_space<vmem_shared>>
        %dma_wait3A_214 = arith.constant 0 : i32
        %dma_wait3A_215 = tpu.memref_slice %arg2[%add3A_201, %dma_wait3A_214] : memref<1000x128xf32, #tpu.memory_space<hbm>> -> memref<56x128xf32, #tpu.memory_space<hbm>>
        tpu.wait_dma2 semaphore(%run_scoped3A : memref<!tpu.dma_semaphore, #tpu.memory_space<semaphore_mem>>) src(%dma_wait3A_215 : memref<56x128xf32, #tpu.memory_space<hbm>>) dst(%dma_wait3A_213 : memref<56x128xf32, #tpu.memory_space<vmem_shared>>)
        tpu.yield
      }) : () -> ()
    } else {
    }
    %barrier3A = arith.constant 0 : index
    tpu.barrier barrier_id(%barrier3A)
    %dma_start3A_16 = arith.constant 64 : i32
    %dma_start3A_17 = arith.constant 0 : i32
    %dma_start3A_18 = tpu.memref_slice %arg7[%dma_start3A_16, %dma_start3A_17] : memref<512x128xf32, #tpu.memory_space<vmem>> -> memref<112x128xf32, #tpu.memory_space<vmem>>
    %dma_start3A_19 = arith.constant 64 : i32
    %dma_start3A_20 = tpu.memref_slice %arg6[%dma_start3A_19] : memref<512xi32, #tpu.memory_space<vmem>> -> memref<112xi32, #tpu.memory_space<vmem>>
    %dma_start3A_21 = arith.constant 0 : i32
    %dma_start3A_22 = arith.constant 0 : i32
    %dma_start3A_23 = tpu.memref_slice %arg5[%dma_start3A_21, %dma_start3A_22] : memref<1000x128xf32, #tpu.memory_space<vmem_shared>> -> memref<1000x128xf32, #tpu.memory_space<vmem_shared>>
    tpu.enqueue_indirect_dma source(%dma_start3A_23 : memref<1000x128xf32, #tpu.memory_space<vmem_shared>>) target(%dma_start3A_18 : memref<112x128xf32, #tpu.memory_space<vmem>>) offsets(%dma_start3A_20 : memref<112xi32, #tpu.memory_space<vmem>>) semaphore(%arg8 : memref<!tpu.dma_semaphore, #tpu.memory_space<semaphore_mem>>)
    %dma_start3A_24 = arith.constant 176 : i32
    %dma_start3A_25 = arith.constant 0 : i32
    %dma_start3A_26 = tpu.memref_slice %arg7[%dma_start3A_24, %dma_start3A_25] : memref<512x128xf32, #tpu.memory_space<vmem>> -> memref<112x128xf32, #tpu.memory_space<vmem>>
    %dma_start3A_27 = arith.constant 176 : i32
    %dma_start3A_28 = tpu.memref_slice %arg6[%dma_start3A_27] : memref<512xi32, #tpu.memory_space<vmem>> -> memref<112xi32, #tpu.memory_space<vmem>>
    %dma_start3A_29 = arith.constant 0 : i32
    %dma_start3A_30 = arith.constant 0 : i32
    %dma_start3A_31 = tpu.memref_slice %arg5[%dma_start3A_29, %dma_start3A_30] : memref<1000x128xf32, #tpu.memory_space<vmem_shared>> -> memref<1000x128xf32, #tpu.memory_space<vmem_shared>>
    tpu.enqueue_indirect_dma source(%dma_start3A_31 : memref<1000x128xf32, #tpu.memory_space<vmem_shared>>) target(%dma_start3A_26 : memref<112x128xf32, #tpu.memory_space<vmem>>) offsets(%dma_start3A_28 : memref<112xi32, #tpu.memory_space<vmem>>) semaphore(%arg8 : memref<!tpu.dma_semaphore, #tpu.memory_space<semaphore_mem>>)
    %dma_start3A_32 = arith.constant 288 : i32
    %dma_start3A_33 = arith.constant 0 : i32
    %dma_start3A_34 = tpu.memref_slice %arg7[%dma_start3A_32, %dma_start3A_33] : memref<512x128xf32, #tpu.memory_space<vmem>> -> memref<112x128xf32, #tpu.memory_space<vmem>>
    %dma_start3A_35 = arith.constant 288 : i32
    %dma_start3A_36 = tpu.memref_slice %arg6[%dma_start3A_35] : memref<512xi32, #tpu.memory_space<vmem>> -> memref<112xi32, #tpu.memory_space<vmem>>
    %dma_start3A_37 = arith.constant 0 : i32
    %dma_start3A_38 = arith.constant 0 : i32
    %dma_start3A_39 = tpu.memref_slice %arg5[%dma_start3A_37, %dma_start3A_38] : memref<1000x128xf32, #tpu.memory_space<vmem_shared>> -> memref<1000x128xf32, #tpu.memory_space<vmem_shared>>
    tpu.enqueue_indirect_dma source(%dma_start3A_39 : memref<1000x128xf32, #tpu.memory_space<vmem_shared>>) target(%dma_start3A_34 : memref<112x128xf32, #tpu.memory_space<vmem>>) offsets(%dma_start3A_36 : memref<112xi32, #tpu.memory_space<vmem>>) semaphore(%arg8 : memref<!tpu.dma_semaphore, #tpu.memory_space<semaphore_mem>>)
    %dma_start3A_40 = arith.constant 400 : i32
    %dma_start3A_41 = arith.constant 0 : i32
    %dma_start3A_42 = tpu.memref_slice %arg7[%dma_start3A_40, %dma_start3A_41] : memref<512x128xf32, #tpu.memory_space<vmem>> -> memref<112x128xf32, #tpu.memory_space<vmem>>
    %dma_start3A_43 = arith.constant 400 : i32
    %dma_start3A_44 = tpu.memref_slice %arg6[%dma_start3A_43] : memref<512xi32, #tpu.memory_space<vmem>> -> memref<112xi32, #tpu.memory_space<vmem>>
    %dma_start3A_45 = arith.constant 0 : i32
    %dma_start3A_46 = arith.constant 0 : i32
    %dma_start3A_47 = tpu.memref_slice %arg5[%dma_start3A_45, %dma_start3A_46] : memref<1000x128xf32, #tpu.memory_space<vmem_shared>> -> memref<1000x128xf32, #tpu.memory_space<vmem_shared>>
    tpu.enqueue_indirect_dma source(%dma_start3A_47 : memref<1000x128xf32, #tpu.memory_space<vmem_shared>>) target(%dma_start3A_42 : memref<112x128xf32, #tpu.memory_space<vmem>>) offsets(%dma_start3A_44 : memref<112xi32, #tpu.memory_space<vmem>>) semaphore(%arg8 : memref<!tpu.dma_semaphore, #tpu.memory_space<semaphore_mem>>)
    %dma_wait3A = arith.constant 0 : i32
    %dma_wait3A_48 = arith.constant 0 : i32
    %dma_wait3A_49 = tpu.memref_slice %arg7[%dma_wait3A, %dma_wait3A_48] : memref<512x128xf32, #tpu.memory_space<vmem>> -> memref<64x128xf32, #tpu.memory_space<vmem>>
    %dma_wait3A_50 = arith.constant 0 : i32
    %dma_wait3A_51 = tpu.memref_slice %arg6[%dma_wait3A_50] : memref<512xi32, #tpu.memory_space<vmem>> -> memref<64xi32, #tpu.memory_space<vmem>>
    %dma_wait3A_52 = arith.constant 0 : i32
    %dma_wait3A_53 = arith.constant 0 : i32
    %dma_wait3A_54 = tpu.memref_slice %arg2[%dma_wait3A_52, %dma_wait3A_53] : memref<1000x128xf32, #tpu.memory_space<hbm>> -> memref<1000x128xf32, #tpu.memory_space<hbm>>
    tpu.wait_indirect_dma semaphore(%arg8 : memref<!tpu.dma_semaphore, #tpu.memory_space<semaphore_mem>>) src(%dma_wait3A_54 : memref<1000x128xf32, #tpu.memory_space<hbm>>) dst(%dma_wait3A_49 : memref<64x128xf32, #tpu.memory_space<vmem>>)
    %add3A_55 = arith.constant 0 : i32
    %add3A_56 = arith.addi %mul3A_2, %add3A_55 : i32
    %dma_start3A_57 = arith.constant 0 : i32
    %dma_start3A_58 = arith.constant 0 : i32
    %dma_start3A_59 = tpu.memref_slice %arg7[%dma_start3A_57, %dma_start3A_58] : memref<512x128xf32, #tpu.memory_space<vmem>> -> memref<64x128xf32, #tpu.memory_space<vmem>>
    %dma_start3A_60 = arith.constant 0 : i32
    %dma_start3A_61 = tpu.memref_slice %arg4[%add3A_56, %dma_start3A_60] : memref<16384x128xf32, #tpu.memory_space<hbm>> -> memref<64x128xf32, #tpu.memory_space<hbm>>
    %dma_start3A_62 = arith.constant 0 : i32
    %dma_start3A_63 = tpu.memref_slice %arg4[%add3A_56, %dma_start3A_62] : memref<16384x128xf32, #tpu.memory_space<hbm>> -> memref<64x128xf32, #tpu.memory_space<hbm>>
    %dma_start3A_64 = arith.constant 0 : i32
    %dma_start3A_65 = arith.constant 0 : i32
    %dma_start3A_66 = tpu.memref_slice %arg7[%dma_start3A_64, %dma_start3A_65] : memref<512x128xf32, #tpu.memory_space<vmem>> -> memref<64x128xf32, #tpu.memory_space<vmem>>
    tpu.enqueue_dma source(%dma_start3A_66 : memref<64x128xf32, #tpu.memory_space<vmem>>) target(%dma_start3A_63 : memref<64x128xf32, #tpu.memory_space<hbm>>) target_semaphore(%arg9 : memref<!tpu.dma_semaphore, #tpu.memory_space<semaphore_mem>>)
    %dma_wait3A_67 = arith.constant 64 : i32
    %dma_wait3A_68 = arith.constant 0 : i32
    %dma_wait3A_69 = tpu.memref_slice %arg7[%dma_wait3A_67, %dma_wait3A_68] : memref<512x128xf32, #tpu.memory_space<vmem>> -> memref<112x128xf32, #tpu.memory_space<vmem>>
    %dma_wait3A_70 = arith.constant 64 : i32
    %dma_wait3A_71 = tpu.memref_slice %arg6[%dma_wait3A_70] : memref<512xi32, #tpu.memory_space<vmem>> -> memref<112xi32, #tpu.memory_space<vmem>>
    %dma_wait3A_72 = arith.constant 0 : i32
    %dma_wait3A_73 = arith.constant 0 : i32
    %dma_wait3A_74 = tpu.memref_slice %arg5[%dma_wait3A_72, %dma_wait3A_73] : memref<1000x128xf32, #tpu.memory_space<vmem_shared>> -> memref<1000x128xf32, #tpu.memory_space<vmem_shared>>
    tpu.wait_indirect_dma semaphore(%arg8 : memref<!tpu.dma_semaphore, #tpu.memory_space<semaphore_mem>>) src(%dma_wait3A_74 : memref<1000x128xf32, #tpu.memory_space<vmem_shared>>) dst(%dma_wait3A_69 : memref<112x128xf32, #tpu.memory_space<vmem>>)
    %add3A_75 = arith.constant 64 : i32
    %add3A_76 = arith.addi %mul3A_2, %add3A_75 : i32
    %dma_start3A_77 = arith.constant 64 : i32
    %dma_start3A_78 = arith.constant 0 : i32
    %dma_start3A_79 = tpu.memref_slice %arg7[%dma_start3A_77, %dma_start3A_78] : memref<512x128xf32, #tpu.memory_space<vmem>> -> memref<112x128xf32, #tpu.memory_space<vmem>>
    %dma_start3A_80 = arith.constant 0 : i32
    %dma_start3A_81 = tpu.memref_slice %arg4[%add3A_76, %dma_start3A_80] : memref<16384x128xf32, #tpu.memory_space<hbm>> -> memref<112x128xf32, #tpu.memory_space<hbm>>
    %dma_start3A_82 = arith.constant 0 : i32
    %dma_start3A_83 = tpu.memref_slice %arg4[%add3A_76, %dma_start3A_82] : memref<16384x128xf32, #tpu.memory_space<hbm>> -> memref<112x128xf32, #tpu.memory_space<hbm>>
    %dma_start3A_84 = arith.constant 64 : i32
    %dma_start3A_85 = arith.constant 0 : i32
    %dma_start3A_86 = tpu.memref_slice %arg7[%dma_start3A_84, %dma_start3A_85] : memref<512x128xf32, #tpu.memory_space<vmem>> -> memref<112x128xf32, #tpu.memory_space<vmem>>
    tpu.enqueue_dma source(%dma_start3A_86 : memref<112x128xf32, #tpu.memory_space<vmem>>) target(%dma_start3A_83 : memref<112x128xf32, #tpu.memory_space<hbm>>) target_semaphore(%arg9 : memref<!tpu.dma_semaphore, #tpu.memory_space<semaphore_mem>>)
    %dma_wait3A_87 = arith.constant 176 : i32
    %dma_wait3A_88 = arith.constant 0 : i32
    %dma_wait3A_89 = tpu.memref_slice %arg7[%dma_wait3A_87, %dma_wait3A_88] : memref<512x128xf32, #tpu.memory_space<vmem>> -> memref<112x128xf32, #tpu.memory_space<vmem>>
    %dma_wait3A_90 = arith.constant 176 : i32
    %dma_wait3A_91 = tpu.memref_slice %arg6[%dma_wait3A_90] : memref<512xi32, #tpu.memory_space<vmem>> -> memref<112xi32, #tpu.memory_space<vmem>>
    %dma_wait3A_92 = arith.constant 0 : i32
    %dma_wait3A_93 = arith.constant 0 : i32
    %dma_wait3A_94 = tpu.memref_slice %arg5[%dma_wait3A_92, %dma_wait3A_93] : memref<1000x128xf32, #tpu.memory_space<vmem_shared>> -> memref<1000x128xf32, #tpu.memory_space<vmem_shared>>
    tpu.wait_indirect_dma semaphore(%arg8 : memref<!tpu.dma_semaphore, #tpu.memory_space<semaphore_mem>>) src(%dma_wait3A_94 : memref<1000x128xf32, #tpu.memory_space<vmem_shared>>) dst(%dma_wait3A_89 : memref<112x128xf32, #tpu.memory_space<vmem>>)
    %add3A_95 = arith.constant 176 : i32
    %add3A_96 = arith.addi %mul3A_2, %add3A_95 : i32
    %dma_start3A_97 = arith.constant 176 : i32
    %dma_start3A_98 = arith.constant 0 : i32
    %dma_start3A_99 = tpu.memref_slice %arg7[%dma_start3A_97, %dma_start3A_98] : memref<512x128xf32, #tpu.memory_space<vmem>> -> memref<112x128xf32, #tpu.memory_space<vmem>>
    %dma_start3A_100 = arith.constant 0 : i32
    %dma_start3A_101 = tpu.memref_slice %arg4[%add3A_96, %dma_start3A_100] : memref<16384x128xf32, #tpu.memory_space<hbm>> -> memref<112x128xf32, #tpu.memory_space<hbm>>
    %dma_start3A_102 = arith.constant 0 : i32
    %dma_start3A_103 = tpu.memref_slice %arg4[%add3A_96, %dma_start3A_102] : memref<16384x128xf32, #tpu.memory_space<hbm>> -> memref<112x128xf32, #tpu.memory_space<hbm>>
    %dma_start3A_104 = arith.constant 176 : i32
    %dma_start3A_105 = arith.constant 0 : i32
    %dma_start3A_106 = tpu.memref_slice %arg7[%dma_start3A_104, %dma_start3A_105] : memref<512x128xf32, #tpu.memory_space<vmem>> -> memref<112x128xf32, #tpu.memory_space<vmem>>
    tpu.enqueue_dma source(%dma_start3A_106 : memref<112x128xf32, #tpu.memory_space<vmem>>) target(%dma_start3A_103 : memref<112x128xf32, #tpu.memory_space<hbm>>) target_semaphore(%arg9 : memref<!tpu.dma_semaphore, #tpu.memory_space<semaphore_mem>>)
    %dma_wait3A_107 = arith.constant 288 : i32
    %dma_wait3A_108 = arith.constant 0 : i32
    %dma_wait3A_109 = tpu.memref_slice %arg7[%dma_wait3A_107, %dma_wait3A_108] : memref<512x128xf32, #tpu.memory_space<vmem>> -> memref<112x128xf32, #tpu.memory_space<vmem>>
    %dma_wait3A_110 = arith.constant 288 : i32
    %dma_wait3A_111 = tpu.memref_slice %arg6[%dma_wait3A_110] : memref<512xi32, #tpu.memory_space<vmem>> -> memref<112xi32, #tpu.memory_space<vmem>>
    %dma_wait3A_112 = arith.constant 0 : i32
    %dma_wait3A_113 = arith.constant 0 : i32
    %dma_wait3A_114 = tpu.memref_slice %arg5[%dma_wait3A_112, %dma_wait3A_113] : memref<1000x128xf32, #tpu.memory_space<vmem_shared>> -> memref<1000x128xf32, #tpu.memory_space<vmem_shared>>
    tpu.wait_indirect_dma semaphore(%arg8 : memref<!tpu.dma_semaphore, #tpu.memory_space<semaphore_mem>>) src(%dma_wait3A_114 : memref<1000x128xf32, #tpu.memory_space<vmem_shared>>) dst(%dma_wait3A_109 : memref<112x128xf32, #tpu.memory_space<vmem>>)
    %add3A_115 = arith.constant 288 : i32
    %add3A_116 = arith.addi %mul3A_2, %add3A_115 : i32
    %dma_start3A_117 = arith.constant 288 : i32
    %dma_start3A_118 = arith.constant 0 : i32
    %dma_start3A_119 = tpu.memref_slice %arg7[%dma_start3A_117, %dma_start3A_118] : memref<512x128xf32, #tpu.memory_space<vmem>> -> memref<112x128xf32, #tpu.memory_space<vmem>>
    %dma_start3A_120 = arith.constant 0 : i32
    %dma_start3A_121 = tpu.memref_slice %arg4[%add3A_116, %dma_start3A_120] : memref<16384x128xf32, #tpu.memory_space<hbm>> -> memref<112x128xf32, #tpu.memory_space<hbm>>
    %dma_start3A_122 = arith.constant 0 : i32
    %dma_start3A_123 = tpu.memref_slice %arg4[%add3A_116, %dma_start3A_122] : memref<16384x128xf32, #tpu.memory_space<hbm>> -> memref<112x128xf32, #tpu.memory_space<hbm>>
    %dma_start3A_124 = arith.constant 288 : i32
    %dma_start3A_125 = arith.constant 0 : i32
    %dma_start3A_126 = tpu.memref_slice %arg7[%dma_start3A_124, %dma_start3A_125] : memref<512x128xf32, #tpu.memory_space<vmem>> -> memref<112x128xf32, #tpu.memory_space<vmem>>
    tpu.enqueue_dma source(%dma_start3A_126 : memref<112x128xf32, #tpu.memory_space<vmem>>) target(%dma_start3A_123 : memref<112x128xf32, #tpu.memory_space<hbm>>) target_semaphore(%arg9 : memref<!tpu.dma_semaphore, #tpu.memory_space<semaphore_mem>>)
    %dma_wait3A_127 = arith.constant 400 : i32
    %dma_wait3A_128 = arith.constant 0 : i32
    %dma_wait3A_129 = tpu.memref_slice %arg7[%dma_wait3A_127, %dma_wait3A_128] : memref<512x128xf32, #tpu.memory_space<vmem>> -> memref<112x128xf32, #tpu.memory_space<vmem>>
    %dma_wait3A_130 = arith.constant 400 : i32
    %dma_wait3A_131 = tpu.memref_slice %arg6[%dma_wait3A_130] : memref<512xi32, #tpu.memory_space<vmem>> -> memref<112xi32, #tpu.memory_space<vmem>>
    %dma_wait3A_132 = arith.constant 0 : i32
    %dma_wait3A_133 = arith.constant 0 : i32
    %dma_wait3A_134 = tpu.memref_slice %arg5[%dma_wait3A_132, %dma_wait3A_133] : memref<1000x128xf32, #tpu.memory_space<vmem_shared>> -> memref<1000x128xf32, #tpu.memory_space<vmem_shared>>
    tpu.wait_indirect_dma semaphore(%arg8 : memref<!tpu.dma_semaphore, #tpu.memory_space<semaphore_mem>>) src(%dma_wait3A_134 : memref<1000x128xf32, #tpu.memory_space<vmem_shared>>) dst(%dma_wait3A_129 : memref<112x128xf32, #tpu.memory_space<vmem>>)
    %add3A_135 = arith.constant 400 : i32
    %add3A_136 = arith.addi %mul3A_2, %add3A_135 : i32
    %dma_start3A_137 = arith.constant 400 : i32
    %dma_start3A_138 = arith.constant 0 : i32
    %dma_start3A_139 = tpu.memref_slice %arg7[%dma_start3A_137, %dma_start3A_138] : memref<512x128xf32, #tpu.memory_space<vmem>> -> memref<112x128xf32, #tpu.memory_space<vmem>>
    %dma_start3A_140 = arith.constant 0 : i32
    %dma_start3A_141 = tpu.memref_slice %arg4[%add3A_136, %dma_start3A_140] : memref<16384x128xf32, #tpu.memory_space<hbm>> -> memref<112x128xf32, #tpu.memory_space<hbm>>
    %dma_start3A_142 = arith.constant 0 : i32
    %dma_start3A_143 = tpu.memref_slice %arg4[%add3A_136, %dma_start3A_142] : memref<16384x128xf32, #tpu.memory_space<hbm>> -> memref<112x128xf32, #tpu.memory_space<hbm>>
    %dma_start3A_144 = arith.constant 400 : i32
    %dma_start3A_145 = arith.constant 0 : i32
    %dma_start3A_146 = tpu.memref_slice %arg7[%dma_start3A_144, %dma_start3A_145] : memref<512x128xf32, #tpu.memory_space<vmem>> -> memref<112x128xf32, #tpu.memory_space<vmem>>
    tpu.enqueue_dma source(%dma_start3A_146 : memref<112x128xf32, #tpu.memory_space<vmem>>) target(%dma_start3A_143 : memref<112x128xf32, #tpu.memory_space<hbm>>) target_semaphore(%arg9 : memref<!tpu.dma_semaphore, #tpu.memory_space<semaphore_mem>>)
    %dma_wait3A_147 = arith.constant 0 : i32
    %dma_wait3A_148 = arith.constant 0 : i32
    %dma_wait3A_149 = tpu.memref_slice %arg7[%dma_wait3A_147, %dma_wait3A_148] : memref<512x128xf32, #tpu.memory_space<vmem>> -> memref<64x128xf32, #tpu.memory_space<vmem>>
    %dma_wait3A_150 = arith.constant 0 : i32
    %dma_wait3A_151 = tpu.memref_slice %arg4[%add3A_56, %dma_wait3A_150] : memref<16384x128xf32, #tpu.memory_space<hbm>> -> memref<64x128xf32, #tpu.memory_space<hbm>>
    %dma_wait3A_152 = arith.constant 0 : i32
    %dma_wait3A_153 = tpu.memref_slice %arg4[%add3A_56, %dma_wait3A_152] : memref<16384x128xf32, #tpu.memory_space<hbm>> -> memref<64x128xf32, #tpu.memory_space<hbm>>
    %dma_wait3A_154 = arith.constant 0 : i32
    %dma_wait3A_155 = arith.constant 0 : i32
    %dma_wait3A_156 = tpu.memref_slice %arg7[%dma_wait3A_154, %dma_wait3A_155] : memref<512x128xf32, #tpu.memory_space<vmem>> -> memref<64x128xf32, #tpu.memory_space<vmem>>
    tpu.wait_dma2 semaphore(%arg9 : memref<!tpu.dma_semaphore, #tpu.memory_space<semaphore_mem>>) src(%dma_wait3A_156 : memref<64x128xf32, #tpu.memory_space<vmem>>) dst(%dma_wait3A_153 : memref<64x128xf32, #tpu.memory_space<hbm>>)
    %dma_wait3A_157 = arith.constant 64 : i32
    %dma_wait3A_158 = arith.constant 0 : i32
    %dma_wait3A_159 = tpu.memref_slice %arg7[%dma_wait3A_157, %dma_wait3A_158] : memref<512x128xf32, #tpu.memory_space<vmem>> -> memref<112x128xf32, #tpu.memory_space<vmem>>
    %dma_wait3A_160 = arith.constant 0 : i32
    %dma_wait3A_161 = tpu.memref_slice %arg4[%add3A_76, %dma_wait3A_160] : memref<16384x128xf32, #tpu.memory_space<hbm>> -> memref<112x128xf32, #tpu.memory_space<hbm>>
    %dma_wait3A_162 = arith.constant 0 : i32
    %dma_wait3A_163 = tpu.memref_slice %arg4[%add3A_76, %dma_wait3A_162] : memref<16384x128xf32, #tpu.memory_space<hbm>> -> memref<112x128xf32, #tpu.memory_space<hbm>>
    %dma_wait3A_164 = arith.constant 64 : i32
    %dma_wait3A_165 = arith.constant 0 : i32
    %dma_wait3A_166 = tpu.memref_slice %arg7[%dma_wait3A_164, %dma_wait3A_165] : memref<512x128xf32, #tpu.memory_space<vmem>> -> memref<112x128xf32, #tpu.memory_space<vmem>>
    tpu.wait_dma2 semaphore(%arg9 : memref<!tpu.dma_semaphore, #tpu.memory_space<semaphore_mem>>) src(%dma_wait3A_166 : memref<112x128xf32, #tpu.memory_space<vmem>>) dst(%dma_wait3A_163 : memref<112x128xf32, #tpu.memory_space<hbm>>)
    %dma_wait3A_167 = arith.constant 176 : i32
    %dma_wait3A_168 = arith.constant 0 : i32
    %dma_wait3A_169 = tpu.memref_slice %arg7[%dma_wait3A_167, %dma_wait3A_168] : memref<512x128xf32, #tpu.memory_space<vmem>> -> memref<112x128xf32, #tpu.memory_space<vmem>>
    %dma_wait3A_170 = arith.constant 0 : i32
    %dma_wait3A_171 = tpu.memref_slice %arg4[%add3A_96, %dma_wait3A_170] : memref<16384x128xf32, #tpu.memory_space<hbm>> -> memref<112x128xf32, #tpu.memory_space<hbm>>
    %dma_wait3A_172 = arith.constant 0 : i32
    %dma_wait3A_173 = tpu.memref_slice %arg4[%add3A_96, %dma_wait3A_172] : memref<16384x128xf32, #tpu.memory_space<hbm>> -> memref<112x128xf32, #tpu.memory_space<hbm>>
    %dma_wait3A_174 = arith.constant 176 : i32
    %dma_wait3A_175 = arith.constant 0 : i32
    %dma_wait3A_176 = tpu.memref_slice %arg7[%dma_wait3A_174, %dma_wait3A_175] : memref<512x128xf32, #tpu.memory_space<vmem>> -> memref<112x128xf32, #tpu.memory_space<vmem>>
    tpu.wait_dma2 semaphore(%arg9 : memref<!tpu.dma_semaphore, #tpu.memory_space<semaphore_mem>>) src(%dma_wait3A_176 : memref<112x128xf32, #tpu.memory_space<vmem>>) dst(%dma_wait3A_173 : memref<112x128xf32, #tpu.memory_space<hbm>>)
    %dma_wait3A_177 = arith.constant 288 : i32
    %dma_wait3A_178 = arith.constant 0 : i32
    %dma_wait3A_179 = tpu.memref_slice %arg7[%dma_wait3A_177, %dma_wait3A_178] : memref<512x128xf32, #tpu.memory_space<vmem>> -> memref<112x128xf32, #tpu.memory_space<vmem>>
    %dma_wait3A_180 = arith.constant 0 : i32
    %dma_wait3A_181 = tpu.memref_slice %arg4[%add3A_116, %dma_wait3A_180] : memref<16384x128xf32, #tpu.memory_space<hbm>> -> memref<112x128xf32, #tpu.memory_space<hbm>>
    %dma_wait3A_182 = arith.constant 0 : i32
    %dma_wait3A_183 = tpu.memref_slice %arg4[%add3A_116, %dma_wait3A_182] : memref<16384x128xf32, #tpu.memory_space<hbm>> -> memref<112x128xf32, #tpu.memory_space<hbm>>
    %dma_wait3A_184 = arith.constant 288 : i32
    %dma_wait3A_185 = arith.constant 0 : i32
    %dma_wait3A_186 = tpu.memref_slice %arg7[%dma_wait3A_184, %dma_wait3A_185] : memref<512x128xf32, #tpu.memory_space<vmem>> -> memref<112x128xf32, #tpu.memory_space<vmem>>
    tpu.wait_dma2 semaphore(%arg9 : memref<!tpu.dma_semaphore, #tpu.memory_space<semaphore_mem>>) src(%dma_wait3A_186 : memref<112x128xf32, #tpu.memory_space<vmem>>) dst(%dma_wait3A_183 : memref<112x128xf32, #tpu.memory_space<hbm>>)
    %dma_wait3A_187 = arith.constant 400 : i32
    %dma_wait3A_188 = arith.constant 0 : i32
    %dma_wait3A_189 = tpu.memref_slice %arg7[%dma_wait3A_187, %dma_wait3A_188] : memref<512x128xf32, #tpu.memory_space<vmem>> -> memref<112x128xf32, #tpu.memory_space<vmem>>
    %dma_wait3A_190 = arith.constant 0 : i32
    %dma_wait3A_191 = tpu.memref_slice %arg4[%add3A_136, %dma_wait3A_190] : memref<16384x128xf32, #tpu.memory_space<hbm>> -> memref<112x128xf32, #tpu.memory_space<hbm>>
    %dma_wait3A_192 = arith.constant 0 : i32
    %dma_wait3A_193 = tpu.memref_slice %arg4[%add3A_136, %dma_wait3A_192] : memref<16384x128xf32, #tpu.memory_space<hbm>> -> memref<112x128xf32, #tpu.memory_space<hbm>>
    %dma_wait3A_194 = arith.constant 400 : i32
    %dma_wait3A_195 = arith.constant 0 : i32
    %dma_wait3A_196 = tpu.memref_slice %arg7[%dma_wait3A_194, %dma_wait3A_195] : memref<512x128xf32, #tpu.memory_space<vmem>> -> memref<112x128xf32, #tpu.memory_space<vmem>>
    tpu.wait_dma2 semaphore(%arg9 : memref<!tpu.dma_semaphore, #tpu.memory_space<semaphore_mem>>) src(%dma_wait3A_196 : memref<112x128xf32, #tpu.memory_space<vmem>>) dst(%dma_wait3A_193 : memref<112x128xf32, #tpu.memory_space<hbm>>)
    return
  }
}

</mosaic_0001>

<sc_bundles>
// kernel: kernel.3.cloned.1.call-start
scs
__scs_entry_jumppad:
0x0: {  	(pc) =	sbr.rel $0x88, $3  }
0x1: {  	(tag) =	ssettag $0x0;
	lr =	simm.s32 $0x1  }
0x2: {  	[smem:$0x3F9F] =	sst lr;
	_ =	strace $0xD0000000  }
0x3: {  	_ = 	snop  }
0x4: {  	_ = 	snop  }
0x5: {  	_ = 	snop  }
0x6: {  	_ = 	snop  }
0x7: {  	_ = 	snop  }
__scs_overlays_trampoline_lowered:
0x8: {  	[smem:$0x3FAE] =	sst s0  }
0x9: {  	[smem:$0x3FAF] =	sst s1  }
0xa: {  	[smem:$0x3FB0] =	sst s2  }
0xb: {  	[smem:$0x3FB1] =	sst s3  }
0xc: {  	[smem:$0x3FB2] =	sst s4  }
0xd: {  	[smem:$0x3FB3] =	sst s5  }
0xe: {  	[smem:$0x3FB4] =	sst s6  }
0xf: {  	[smem:$0x3FB5] =	sst s7  }
0x10: {  	[smem:$0x3FB6] =	sst s8  }
0x11: {  	[smem:$0x3FB7] =	sst s9;
	s0 =	simm.s32 @!p0 $0x0  }
0x12: {  	s1 =	sld [smem:$0x3F9D];
	s0 =	simm.s32 @p0 $0x1  }
0x13: {  	[smem:$0x3FB8] =	sst s0;
	s0 =	simm.s32 @!p1 $0x0  }
0x14: {  	s2 =	sld [smem:$0x3F9C];
	s0 =	simm.s32 @p1 $0x1  }
0x15: {  	[smem:$0x3FB9] =	sst s0;
	s0 =	simm.s32 @!p2 $0x0  }
0x16: {  	s3 =	sld [smem:$0x3FDB];
	s0 =	simm.s32 @p2 $0x1  }
0x17: {  	s4 =	simm.s32 $0x1BF5;
	[smem:$0x3FBB] =	sst s0  }
0x18: {  	s0 =	sld [smem:$0x3F9E];
	_ =	swait.ge [sflag:s4], $0x0  }
0x19: {  	s7 =	sld [smem:$0x3F9F]  }
0x1a: {  	s8 =	sadd.s32 $0xFFFFE003, lr  }
0x1b: {  	s9 =	sadd.s32 $0xFFFFFEF7, lr;
	s5 =	simm.s32 $0xFFFFFFFF;
	p2 =	slt.u32 s8, $0xFFFFF086  }
0x1c: {  	p1 =	slt.u32 s9, $0xF7A;
	s5 =	simm.s32 @!p2 $0x0  }
0x1d: {  	s5 =	simm.s32 @p1 $0x1;
	p0 =	seq.s32 s7, s2  }
0x1e: {  	s7 =	smul.u32 @!p0 $0xF7A, s2;
	p2 =	seq.s32 @!p0 s5, $0x0  }
0x1f: {  	s9 =	smul.u32 $0xF7A, s1;
	s8 =	simm.s32 @!p0 $0x1BF5;
	p2 =	por !p2, p0  }
0x20: {  	[sflag:s8] =	ssyncset.s32 @!p0 $0xFFFFF086;
	s6 =	sadd.s32 @!p0 s3, s7;
	s7 =	simm.s32 @!p0 $0x108  }
0x21: {  	s3 =	sadd.s32 s3, s9;
	s6 =	sadd.s32 @!p0 $0x88, s6;
	s7 =	simm.s32 @p2 $0x1082  }
0x22: {  	[simem:s7], [sflag:s8] =	dma.local @!p0 [hbm:s6], $0xF7A  }
0x23: {  	s9 =	sor.u32 $0xD0000000, s2;
	s6 =	simm.s32 $0x108;
	_ =	swait.ge @!p0 [sflag:s8], $0x0  }
0x24: {  	s3 =	sadd.s32 $0x88, s3;
	s6 =	simm.s32 @!p1 $0x1082;
	[sflag:s4] =	ssyncset.s32 $0xFFFFF086  }
0x25: {  	[simem:s6], [sflag:s4] =	dma.local [hbm:s3], $0xF7A  }
0x26: {  	[smem:$0x3F9F] =	sst s1;
	(tag) =	ssettag s2;
	_ =	strace s9  }
0x27: {  	s1 =	sld [smem:$0x3FAF]  }
0x28: {  	s2 =	sld [smem:$0x3FB0]  }
0x29: {  	s4 =	sld [smem:$0x3FB2]  }
0x2a: {  	p0 =	seq.s32 s5, $0x0;
	s5 =	sld [smem:$0x3FB3]  }
0x2b: {  	s6 =	sld [smem:$0x3FB4]  }
0x2c: {  	s7 =	sld [smem:$0x3FB5]  }
0x2d: {  	s3 =	simm.s32 $0x108;
	s8 =	sld [smem:$0x3FB6]  }
0x2e: {  	s3 =	simm.s32 @!p0 $0x1082;
	s9 =	sld [smem:$0x3FB7]  }
0x2f: {  	lr =	sadd.s32 s0, s3;
	s0 =	sld [smem:$0x3FAE]  }
0x30: {  	s3 =	sld [smem:$0x3FB1]  }
0x31: {  	[smem:$0x3FBA] =	sst s10  }
0x32: {  	s10 =	sld [smem:$0x3FB8];
	_ =	sdelay $0x3  }
0x33: {  	p0 =	seq.s32 s10, $0x1;
	s10 =	sld [smem:$0x3FBA];
	_ =	sdelay $0x3  }
0x34: {  	[smem:$0x3FBA] =	sst s10  }
0x35: {  	s10 =	sld [smem:$0x3FB9];
	_ =	sdelay $0x3  }
0x36: {  	p1 =	seq.s32 s10, $0x1;
	s10 =	sld [smem:$0x3FBA];
	_ =	sdelay $0x3  }
0x37: {  	[smem:$0x3FBA] =	sst s10  }
0x38: {  	s10 =	sld [smem:$0x3FBB]  }
0x39: {  	_ = 	snop;
	(pc) =	sbr.ind lr, $3  }
0x3a: {  	_ = 	snop  }
0x3b: {  	_ = 	snop  }
0x3c: {  	p2 =	seq.s32 s10, $0x1;
	s10 =	sld [smem:$0x3FBA]  }
0x3d: {  	_ =	shalt  }
0x3e: {  	_ =	shalt  }
0x3f: {  	_ =	shalt  }
0x40: {  	_ =	shalt  }
0x41: {  	_ =	shalt  }
0x42: {  	_ =	shalt  }
0x43: {  	_ =	shalt  }
0x44: {  	_ =	shalt  }
0x45: {  	_ =	shalt  }
0x46: {  	_ =	shalt  }
0x47: {  	_ =	shalt  }
0x48: {  	_ =	shalt  }
0x49: {  	_ =	shalt  }
0x4a: {  	_ =	shalt  }
0x4b: {  	_ =	shalt  }
0x4c: {  	_ =	shalt  }
0x4d: {  	_ =	shalt  }
0x4e: {  	_ =	shalt  }
0x4f: {  	_ =	shalt  }
0x50: {  	_ =	shalt  }
0x51: {  	_ =	shalt  }
0x52: {  	_ =	shalt  }
0x53: {  	_ =	shalt  }
0x54: {  	_ =	shalt  }
0x55: {  	_ =	shalt  }
0x56: {  	_ =	shalt  }
0x57: {  	_ =	shalt  }
0x58: {  	_ =	shalt  }
0x59: {  	_ =	shalt  }
0x5a: {  	_ =	shalt  }
0x5b: {  	_ =	shalt  }
0x5c: {  	_ =	shalt  }
0x5d: {  	_ =	shalt  }
0x5e: {  	_ =	shalt  }
0x5f: {  	_ =	shalt  }
0x60: {  	_ =	shalt  }
0x61: {  	_ =	shalt  }
0x62: {  	_ =	shalt  }
0x63: {  	_ =	shalt  }
0x64: {  	_ =	shalt  }
0x65: {  	_ =	shalt  }
0x66: {  	_ =	shalt  }
0x67: {  	_ =	shalt  }
0x68: {  	_ =	shalt  }
0x69: {  	_ =	shalt  }
0x6a: {  	_ =	shalt  }
0x6b: {  	_ =	shalt  }
0x6c: {  	_ =	shalt  }
0x6d: {  	_ =	shalt  }
0x6e: {  	_ =	shalt  }
0x6f: {  	_ =	shalt  }
0x70: {  	_ =	shalt  }
0x71: {  	_ =	shalt  }
0x72: {  	_ =	shalt  }
0x73: {  	_ =	shalt  }
0x74: {  	_ =	shalt  }
0x75: {  	_ =	shalt  }
0x76: {  	_ =	shalt  }
0x77: {  	_ =	shalt  }
0x78: {  	_ =	shalt  }
0x79: {  	_ =	shalt  }
0x7a: {  	_ =	shalt  }
0x7b: {  	_ =	shalt  }
0x7c: {  	_ =	shalt  }
0x7d: {  	_ =	shalt  }
0x7e: {  	_ =	shalt  }
0x7f: {  	_ =	shalt  }
0x80: {  	_ =	shalt  }
0x81: {  	_ =	shalt  }
0x82: {  	_ =	shalt  }
0x83: {  	_ =	shalt  }
0x84: {  	_ =	shalt  }
0x85: {  	_ =	shalt  }
0x86: {  	_ =	shalt  }
0x87: {  	_ =	shalt  }
.Lfunc_end0:
.L_simem_size_0:
called_computation_lowered:
.L_overlay_start_0:
0x88: {  	s2 =	sld [smem:$0x3FD9]  }
0x89: {  	s3 =	sld [smem:$0x3FFE];
	_ =	sdelay $0x1  }
0x8a: {  	s1 =	srdreg.scid  }
0x8b: {  	s0 =	sand.u32 $0x1, s1  }
0x8c: {  	s18 =	sshll.u32 s0, $0xA;
	s2 =	sadd.s32 s3, s2  }
0x8d: {  	s2 =	sadd.s32 s2, s18  }
0x8e: {  	[smem:$0x3FC6] =	sst s2  }
0x8f: {  	_ = 	snop  }
0x90: {  	s2 =	sld [smem:$0x3FC9]  }
0x91: {  	s19 =	sld [smem:$0x3FC8]  }
0x92: {  	s4 =	sld [smem:$0x3FD0];
	(tm) =	ssettm $0x1  }
0x93: {  	s5 =	sld [smem:$0x3FFB];
	_ =	sdelay $0x3  }
0x94: {  	_ =	strace s5  }
0x95: {  	s5 =	sld [smem:$0x3FFC];
	_ =	sdelay $0x3  }
0x96: {  	_ =	strace s5  }
0x97: {  	s5 =	sld [smem:$0x3FFD];
	_ =	sdelay $0x3  }
0x98: {  	_ =	strace s5  }
0x99: {  	_ =	strace $0x8FFFFFFF  }
0x9a: {  	s20 =	sld [smem:$0x3FDB];
	_ =	sdelay $0x1  }
0x9b: {  	s6 =	simm.s32 $_scs_section_size  }
0x9c: {  	s7 =	simm.s32 $_size__tile_overlayer_lowered;
	s8 =	simm.s32 $_tile_overlayer_lowered  }
0x9d: {  	s23 =	simm.s32 $0x1BFF;
	s22 =	sshll.u32 s8, $0x1;
	s5 =	sadd.s32 s6, s20  }
0x9e: {  	s9 =	simm.s32 $0x0;
	s21 =	sshll.u32 s7, $0x1;
	s7 =	sadd.s32 s22, s5  }
0x9f: {  	[timem:s9], [sflag:s23] =	dma.local [hbm:s7], s21  }
0xa0: {  	_ =	swait.ge [sflag:s23], s21  }
0xa1: {  	s6 =	ssub.s32 $0x0, s21;
	[sflag:s23] =	ssyncset.done $0x0  }
0xa2: {  	[sflag:s23] =	ssyncadd.s32 s6;
	_ =	sdelay $0x1  }
0xa3: {  	s24 =	simm.s32 $0x1B8B  }
0xa4: {  	_ =	swait.ge [sflag:s24], $0x1  }
0xa5: {  	[sflag:s24] =	ssyncset.done $0x0  }
0xa6: {  	s25 =	simm.s32 $0x1B8E;
	[sflag:s24] =	ssyncadd.s32 $0xFFFFFFFF  }
0xa7: {  	s26 =	simm.s32 $execute0_lowered;
	[smem:$0x3FD2] =	sst s25  }
0xa8: {  	s6 =	sshll.u32 s26, $0x1;
	_ =	strace $0x80000046;
	[dreg:$0x1] =	wrdreg $0xFFFFFFFF  }
0xa9: {  	s28 =	simm.s32 $_size_execute0_lowered;
	s5 =	sadd.s32 s5, s6;
	[dreg:$0x0] =	wrdreg $0x0  }
0xaa: {  	s6 =	sshll.u32 s28, $0x1;
	[dreg:$0x2] =	wrdreg s5  }
0xab: {  	[dreg:$0x3] =	wrdreg s6  }
0xac: {  	[dreg:$0x4] =	wrdreg $0xC0  }
0xad: {  	_ =	task [dreg:s9], $0x5FFFF  }
0xae: {  	[dreg:$0x1] =	wrdreg $0xFFFFFFFF  }
0xaf: {  	[dreg:$0x0] =	wrdreg $0x60  }
0xb0: {  	[dreg:$0x2] =	wrdreg s19  }
0xb1: {  	[dreg:$0x3] =	wrdreg s2  }
0xb2: {  	[dreg:$0x4] =	wrdreg s4  }
0xb3: {  	[dreg:$0x5] =	wrdreg $0x0  }
0xb4: {  	[dreg:$0x6] =	wrdreg $0x9  }
0xb5: {  	_ =	task.clear_ibuf [dreg:s9], $0x7FFFF;
	_ =	strace $0x90000046  }
0xb6: {  	s29 =	simm.s32 $0x9;
	_ =	strace $0x80000048  }
0xb7: {  	_ =	swait.ge [sflag:s29], $0x1  }
0xb8: {  	[sflag:s29] =	ssyncadd.s32 $0xFFFFFFFF  }
0xb9: {  	_ =	strace $0x90000048  }
0xba: {  	_ =	sfence  }
0xbb: {  	s30 =	sld [smem:$0x0];
	_ =	sdelay $0x2  }
0xbc: {  	s31 =	sshll.u32 s1, $0xD;
	s1 =	sshrl.u32 s1, $0x2  }
0xbd: {  	s3 =	sand.u32 $0x4000, s31;
	s1 =	sadd.s32 s1, s30  }
0xbe: {  	s0 =	sor.u32 s3, s0;
	s1 =	sshll.u32 s1, $0x11  }
0xbf: {  	s0 =	sor.u32 s1, s0  }
0xc0: {  	s0 =	sadd.s32 $0x8F2B, s0  }
0xc1: {  	[sflag:s0] =	ssyncadd.remote.s32 $0x1  }
0xc2: {  	_ =	sfence.sel $0xFFFF  }
0xc3: {  	[dreg:$0x0] =	wrdreg $0xFFFFFFFF;
	(pc) =	sbr.abs _section_cstart, $3  }
0xc4: {  	[dreg:$0x1] =	wrdreg $0xFFFFFFFF  }
0xc5: {  	_ =	task.clear_ibuf [dreg:s9], $0x2FFFF;
	_ =	strace $0x9FFFFFFF  }
0xc6: {  	(tm) =	ssettm $0x7FFFFFFF  }
0xc7: {  	_ =	shalt  }
tec
execute0_lowered:
.L_overlay_start_1:
0x0: {  	(tag) =	ssettag $0x1  }
0x1: {  	s1 =	rddreg [dreg:$0x0]  }
0x2: {  	s5 =	rddreg [dreg:$0x1]  }
0x3: {  	s25 =	rddreg [dreg:$0x2];
	s2 =	srdreg.scid  }
0x4: {  	s3 =	rddreg [dreg:$0x3];
	s0 =	stileid.u32;
	s4 =	simm.s32 $0x0  }
0x5: {  	s2 =	sand.u32 $0x1, s2;
	s6 =	sshll.u32 s0, $0xA;
	s8 =	smul.u32 $0x38, s0  }
0x6: {  	[smem:$0x7FF] =	sst s4;
	p0 =	sgt.u32 s0, $0xC;
	s7 =	sshll.u32 s2, $0x9  }
0x7: {  	s24 =	sshll.u32 s0, $0xD;
	_ =	strace $0x80000047;
	s26 =	sor.u32 s7, s6  }
0x8: {  	s8 =	sadd.s32 $0x68, s8;
	s6 =	sadd.s32 s1, s6;
	s7 =	sshrl.u32 s26, $0x3  }
0x9: {  	s20 =	sshll.u32 s8, $0x4;
	[dreg:$0x7] =	wrdreg s6;
	s5 =	sadd.s32 s5, s7  }
0xa: {  	s9 =	sshll.u32 @p0 s0, $0x6;
	s21 =	sadd.s32 s1, s20;
	[dreg:$0x5] =	wrdreg s5  }
0xb: {  	s11 =	simm.s32 @p0 $0x3;
	s9 =	sor.u32 @p0 $0x1C03, s9;
	[dreg:$0x6] =	wrdreg s21  }
0xc: {  	s6 =	simm.s32 $0x3;
	s5 =	simm.s32 $0x1F40;
	s23 =	rddreg [dreg:$0x5]  }
0xd: {  	[tilespmem:s5], [sflag:$0x3] =	stream.linear.gather [hbm4b:s23+s4], $0x200, $0x38;
	[tilespmem:$0x12140] =	vst v63  }
0xe: {  	s22 =	sshll.u32 s8, $0x7;
	s8 =	simm.s32 $0x2140;
	_ =	swait.ge [sflag:s6], $0x200  }
0xf: {  	s10 =	sadd.s32 s22, s3;
	s7 =	simm.s32 $0x40;
	[sflag:s6] =	ssyncset.done $0x0  }
0x10: {  	s10 =	sshrl.u32 @p0 s10, $0x3;
	s12 =	rddreg [dreg:$0x6];
	[sflag:s6] =	ssyncadd.s32 $0xFFFFFE00  }
0x11: {  	[tilespmem:s8], [sflag:$0x1] =	stream.indirect.gather [hbm4b:s1+s7], $0x80, s5, s7, $0xb8;
	[tilespmem:$0x12140] =	vst v63  }
0x12: {  	[spmem:s10], [sflag:s9] =	dma.local @p0 [hbm:s12], $0x380  }
0x13: {  	s13 =	sshll.u32 @!p0 s0, $0x6;
	s14 =	sadd.s32 s24, s3;
	_ =	swait.ge @p0 [sflag:s11], $0x380  }
0x14: {  	s12 =	sor.u32 @!p0 $0x1C03, s13;
	s13 =	sshrl.u32 @!p0 s14, $0x3;
	[sflag:s11] =	ssyncset.done @p0 $0x0  }
0x15: {  	s14 =	simm.s32 @!p0 $0x3;
	s15 =	rddreg [dreg:$0x7];
	[sflag:s11] =	ssyncadd.s32 @p0 $0xFFFFFC80  }
0x16: {  	[spmem:s13], [sflag:s12] =	dma.local @!p0 [hbm:s15], $0x400  }
0x17: {  	_ =	swait.ge @!p0 [sflag:s14], $0x400  }
0x18: {  	[sflag:s14] =	ssyncset.done @!p0 $0x0  }
0x19: {  	s16 =	simm.s32 $0x1F80;
	[sflag:s14] =	ssyncadd.s32 @!p0 $0xFFFFFC00  }
0x1a: {  	s17 =	simm.s32 $0x4140;
	s15 =	simm.s32 $0x70;
	[bflag:$0x0] =	sbarrier.arrive $0xFFFF  }
0x1b: {  	[tilespmem:s17], [sflag:$0x1] =	stream.indirect.gather [spmem:s3], $0x80, s16, s15, $0xb8;
	[tilespmem:$0x12140] =	vst v63  }
0x1c: {  	s18 =	simm.s32 $0x1FF0;
	s19 =	simm.s32 $0x7940  }
0x1d: {  	[tilespmem:s19], [sflag:$0x1] =	stream.indirect.gather [spmem:s3], $0x80, s18, s15, $0xb8;
	[tilespmem:$0x12140] =	vst v63  }
0x1e: {  	s20 =	simm.s32 $0x2060;
	s21 =	simm.s32 $0xB140  }
0x1f: {  	[tilespmem:s21], [sflag:$0x1] =	stream.indirect.gather [spmem:s3], $0x80, s20, s15, $0xb8;
	[tilespmem:$0x12140] =	vst v63  }
0x20: {  	s24 =	simm.s32 $0x1;
	s22 =	simm.s32 $0x20D0;
	s23 =	simm.s32 $0xE940  }
0x21: {  	[tilespmem:s23], [sflag:$0x1] =	stream.indirect.gather [spmem:s3], $0x80, s22, s15, $0xb8;
	[tilespmem:$0x12140] =	vst v63  }
0x22: {  	_ =	swait.ge [sflag:s24], $0x2000  }
0x23: {  	s26 =	sshll.u32 s26, $0x4;
	[sflag:s24] =	ssyncset.done $0x0  }
0x24: {  	s25 =	sadd.s32 s25, s26;
	[sflag:s24] =	ssyncadd.s32 $0xFFFFE000  }
0x25: {  	[hbm4b:s25+s4] =	stream.linear.scatter [tilespmem:s8], [sflag:$0x2], $0x2000, $0x38;
	[tilespmem:$0x12140] =	vst v63  }
0x26: {  	_ =	swait.ge [sflag:s24], $0x3800  }
0x27: {  	[sflag:s24] =	ssyncset.done $0x0  }
0x28: {  	s26 =	sadd.s32 $0x400, s25;
	[sflag:s24] =	ssyncadd.s32 $0xFFFFC800  }
0x29: {  	[hbm4b:s26+s4] =	stream.linear.scatter [tilespmem:s17], [sflag:$0x2], $0x3800, $0x38;
	[tilespmem:$0x12140] =	vst v63  }
0x2a: {  	_ =	swait.ge [sflag:s24], $0x3800  }
0x2b: {  	[sflag:s24] =	ssyncset.done $0x0  }
0x2c: {  	s28 =	sadd.s32 $0xB00, s25;
	[sflag:s24] =	ssyncadd.s32 $0xFFFFC800  }
0x2d: {  	[hbm4b:s28+s4] =	stream.linear.scatter [tilespmem:s19], [sflag:$0x2], $0x3800, $0x38;
	[tilespmem:$0x12140] =	vst v63  }
0x2e: {  	_ =	swait.ge [sflag:s24], $0x3800  }
0x2f: {  	[sflag:s24] =	ssyncset.done $0x0  }
0x30: {  	s29 =	sadd.s32 $0x1200, s25;
	[sflag:s24] =	ssyncadd.s32 $0xFFFFC800  }
0x31: {  	[hbm4b:s29+s4] =	stream.linear.scatter [tilespmem:s21], [sflag:$0x2], $0x3800, $0x38;
	[tilespmem:$0x12140] =	vst v63  }
0x32: {  	_ =	swait.ge [sflag:s24], $0x3800  }
0x33: {  	[sflag:s24] =	ssyncset.done $0x0  }
0x34: {  	s30 =	simm.s32 $0x2;
	s31 =	sadd.s32 $0x1900, s25;
	[sflag:s24] =	ssyncadd.s32 $0xFFFFC800  }
0x35: {  	[hbm4b:s31+s4] =	stream.linear.scatter [tilespmem:s23], [sflag:$0x2], $0x3800, $0x38;
	[tilespmem:$0x12140] =	vst v63  }
0x36: {  	_ =	swait.ge [sflag:s30], $0x2000  }
0x37: {  	[sflag:s30] =	ssyncset.done $0x0  }
0x38: {  	s2 =	ssub.s32 $0x2, s2;
	[sflag:s30] =	ssyncadd.s32 $0xFFFFE000  }
0x39: {  	s0 =	sshrl.u32 s2, $0x1;
	_ =	swait.ge [sflag:s30], $0x3800  }
0x3a: {  	s0 =	ssub.s32 s2, s0;
	[sflag:s30] =	ssyncset.done $0x0  }
0x3b: {  	s0 =	smax.u32 s0, $0x1;
	[sflag:s30] =	ssyncadd.s32 $0xFFFFC800  }
0x3c: {  	s2 =	sadd.s32 $0xFFFFFFFF, s0;
	_ =	swait.ge [sflag:s30], $0x3800  }
0x3d: {  	p1 =	sne.s32 s2, $0x0;
	[sflag:s30] =	ssyncset.done $0x0  }
.Ltmp0:
0x3e: {  	[sflag:s30] =	ssyncadd.s32 $0xFFFFC800;
	(pc) =	sbr.rel @!p1 .LBB2_2-.Ltmp0, $4  }
0x3f: {  	_ =	swait.ge [sflag:s30], $0x3800  }
0x40: {  	[sflag:s30] =	ssyncset.done $0x0  }
0x41: {  	[sflag:s30] =	ssyncadd.s32 $0xFFFFC800  }
0x42: {  	_ =	swait.ge [sflag:s30], $0x3800  }
.LBB2_1:
0x43: {  	[sflag:s30] =	ssyncset.done $0x0  }
0x44: {  	s0 =	rddreg [dreg:$0x5];
	[sflag:s30] =	ssyncadd.s32 $0xFFFFC800  }
0x45: {  	[tilespmem:s5], [sflag:$0x3] =	stream.linear.gather [hbm4b:s0+s4], $0x200, $0x38;
	[tilespmem:$0x12140] =	vst v63  }
0x46: {  	_ =	swait.ge [sflag:s6], $0x200  }
0x47: {  	[sflag:s6] =	ssyncset.done $0x0  }
0x48: {  	s0 =	rddreg [dreg:$0x6];
	[sflag:s6] =	ssyncadd.s32 $0xFFFFFE00  }
0x49: {  	[tilespmem:s8], [sflag:$0x1] =	stream.indirect.gather [hbm4b:s1+s7], $0x80, s5, s7, $0xb8;
	[tilespmem:$0x12140] =	vst v63  }
0x4a: {  	[spmem:s10], [sflag:s9] =	dma.local @p0 [hbm:s0], $0x380  }
0x4b: {  	_ =	swait.ge @p0 [sflag:s11], $0x380  }
0x4c: {  	[sflag:s11] =	ssyncset.done @p0 $0x0  }
0x4d: {  	s0 =	rddreg [dreg:$0x7];
	[sflag:s11] =	ssyncadd.s32 @p0 $0xFFFFFC80  }
0x4e: {  	[spmem:s13], [sflag:s12] =	dma.local @!p0 [hbm:s0], $0x400  }
0x4f: {  	_ =	swait.ge @!p0 [sflag:s14], $0x400  }
0x50: {  	[sflag:s14] =	ssyncset.done @!p0 $0x0  }
0x51: {  	[sflag:s14] =	ssyncadd.s32 @!p0 $0xFFFFFC00  }
0x52: {  	[bflag:$0x0] =	sbarrier.arrive $0xFFFF  }
0x53: {  	[tilespmem:s17], [sflag:$0x1] =	stream.indirect.gather [spmem:s3], $0x80, s16, s15, $0xb8;
	[tilespmem:$0x12140] =	vst v63  }
0x54: {  	_ = 	snop  }
0x55: {  	[tilespmem:s19], [sflag:$0x1] =	stream.indirect.gather [spmem:s3], $0x80, s18, s15, $0xb8;
	[tilespmem:$0x12140] =	vst v63  }
0x56: {  	_ = 	snop  }
0x57: {  	[tilespmem:s21], [sflag:$0x1] =	stream.indirect.gather [spmem:s3], $0x80, s20, s15, $0xb8;
	[tilespmem:$0x12140] =	vst v63  }
0x58: {  	_ = 	snop  }
0x59: {  	[tilespmem:s23], [sflag:$0x1] =	stream.indirect.gather [spmem:s3], $0x80, s22, s15, $0xb8;
	[tilespmem:$0x12140] =	vst v63  }
0x5a: {  	_ =	swait.ge [sflag:s24], $0x2000  }
0x5b: {  	[sflag:s24] =	ssyncset.done $0x0  }
0x5c: {  	[sflag:s24] =	ssyncadd.s32 $0xFFFFE000  }
0x5d: {  	[hbm4b:s25+s4] =	stream.linear.scatter [tilespmem:s8], [sflag:$0x2], $0x2000, $0x38;
	[tilespmem:$0x12140] =	vst v63  }
0x5e: {  	_ =	swait.ge [sflag:s24], $0x3800  }
0x5f: {  	[sflag:s24] =	ssyncset.done $0x0  }
0x60: {  	[sflag:s24] =	ssyncadd.s32 $0xFFFFC800  }
0x61: {  	[hbm4b:s26+s4] =	stream.linear.scatter [tilespmem:s17], [sflag:$0x2], $0x3800, $0x38;
	[tilespmem:$0x12140] =	vst v63  }
0x62: {  	_ =	swait.ge [sflag:s24], $0x3800  }
0x63: {  	[sflag:s24] =	ssyncset.done $0x0  }
0x64: {  	[sflag:s24] =	ssyncadd.s32 $0xFFFFC800  }
0x65: {  	[hbm4b:s28+s4] =	stream.linear.scatter [tilespmem:s19], [sflag:$0x2], $0x3800, $0x38;
	[tilespmem:$0x12140] =	vst v63  }
0x66: {  	_ =	swait.ge [sflag:s24], $0x3800  }
0x67: {  	[sflag:s24] =	ssyncset.done $0x0  }
0x68: {  	[sflag:s24] =	ssyncadd.s32 $0xFFFFC800  }
0x69: {  	[hbm4b:s29+s4] =	stream.linear.scatter [tilespmem:s21], [sflag:$0x2], $0x3800, $0x38;
	[tilespmem:$0x12140] =	vst v63  }
0x6a: {  	_ =	swait.ge [sflag:s24], $0x3800  }
0x6b: {  	[sflag:s24] =	ssyncset.done $0x0  }
0x6c: {  	[sflag:s24] =	ssyncadd.s32 $0xFFFFC800  }
0x6d: {  	[hbm4b:s31+s4] =	stream.linear.scatter [tilespmem:s23], [sflag:$0x2], $0x3800, $0x38;
	[tilespmem:$0x12140] =	vst v63  }
0x6e: {  	_ =	swait.ge [sflag:s30], $0x2000  }
0x6f: {  	[sflag:s30] =	ssyncset.done $0x0  }
0x70: {  	[sflag:s30] =	ssyncadd.s32 $0xFFFFE000  }
0x71: {  	_ =	swait.ge [sflag:s30], $0x3800  }
0x72: {  	[sflag:s30] =	ssyncset.done $0x0  }
0x73: {  	[sflag:s30] =	ssyncadd.s32 $0xFFFFC800  }
0x74: {  	s2 =	sadd.s32 $0xFFFFFFFF, s2;
	_ =	swait.ge [sflag:s30], $0x3800  }
0x75: {  	p1 =	sne.s32 s2, $0x0;
	[sflag:s30] =	ssyncset.done $0x0  }
.Ltmp1:
0x76: {  	[sflag:s30] =	ssyncadd.s32 $0xFFFFC800;
	(pc) =	sbr.rel @p1 .LBB2_1-.Ltmp1, $4  }
0x77: {  	_ =	swait.ge [sflag:s30], $0x3800  }
0x78: {  	[sflag:s30] =	ssyncset.done $0x0  }
0x79: {  	[sflag:s30] =	ssyncadd.s32 $0xFFFFC800  }
0x7a: {  	_ =	swait.ge [sflag:s30], $0x3800  }
.LBB2_2:
0x7b: {  	[sflag:s30] =	ssyncset.done $0x0  }
0x7c: {  	[sflag:s30] =	ssyncadd.s32 $0xFFFFC800  }
0x7d: {  	_ =	sfence.sel $0x180000  }
0x7e: {  	[bflag:$0x0] =	sbarrier.arrive $0xFFFF  }
0x7f: {  	_ =	strace $0x90000047  }
0x80: {  	s0 =	stileid.u32;
	[bflag:$0x2] =	sbarrier.arrive $0xFFFF  }
0x81: {  	p0 =	sne.s32 s0, $0x0;
	s0 =	rddreg [dreg:$0x4]  }
0x82: {  	s0 =	sadd.s32 @!p0 $0x100000, s0  }
0x83: {  	[sflag:s0] =	ssyncadd.tile.s32 @!p0 $0x1;
	_ =	shalt  }
.Lfunc_end2:
_tile_overlayer_lowered:
.L_overlay_start_2:
0x84: {  	(tag) =	ssettag $0x2  }
0x85: {  	s0 =	rddreg [dreg:$0x0];
	s2 =	stileid.u32  }
0x86: {  	s1 =	rddreg [dreg:$0x1];
	p0 =	sne.s32 s2, $0x0  }
0x87: {  	s3 =	rddreg [dreg:$0x2];
	[bflag:$0x3] =	sbarrier.arrive $0xFFFF;
	s2 =	simm.s32 @!p0 $0x1C03  }
0x88: {  	[timem:s3], [sflag:s2] =	dma.local @!p0 [hbm:s0], s1  }
0x89: {  	s0 =	simm.s32 @!p0 $0x3  }
0x8a: {  	_ =	swait.ge @!p0 [sflag:s0], s1  }
0x8b: {  	s1 =	ssub.s32 @!p0 $0x0, s1;
	[sflag:s0] =	ssyncset.done @!p0 $0x0  }
0x8c: {  	[sflag:s0] =	ssyncadd.s32 @!p0 s1  }
0x8d: {  	[bflag:$0x3] =	sbarrier.arrive $0xFFFF  }
0x8e: {  	_ =	shalt  }

</sc_bundles>
